<compile_context>
chip_gen: v7x
topology: tpu7x:2x2x1
jax: 0.10.2.dev20260603
libtpu: 0.0.44.dev20260713+nightly
codegen_flags: <defaults>
</compile_context>

<pallas_src>
import functools

import jax
import jax.numpy as jnp
from jax import lax
from jax.experimental import pallas as pl
from jax.experimental.pallas import tpu as pltpu
from jax.experimental.pallas import tpu_sc as plsc

_LANES = 16
_NEG_BIG = -1e30


def _sc_router_body(x_hbm, gw_hbm, mask_hbm, xrow, gw, mrow):
    core = lax.axis_index("c")
    sub = lax.axis_index("s")

    @pl.when(core == 0)
    def _():
        t = sub
        pltpu.sync_copy(x_hbm.at[t], xrow)
        pltpu.sync_copy(gw_hbm, gw)
        n_e, hidden = gw.shape
        n_chunk = hidden // _LANES

        lane = lax.broadcasted_iota(jnp.int32, (_LANES,), 0)
        lg = jnp.full((_LANES,), _NEG_BIG, jnp.float32)
        for e in range(n_e):
            def body(j, acc):
                return acc + (xrow[pl.ds(j * _LANES, _LANES)]
                              * gw[e, pl.ds(j * _LANES, _LANES)])
            acc = lax.fori_loop(0, n_chunk, body,
                                jnp.zeros((_LANES,), jnp.float32))
            lg = jnp.where(lane == e, jnp.sum(acc), lg)

        valid = lane < n_e
        m = jnp.max(lg)
        p = jnp.where(valid, jnp.exp(lg - m), 0.0)
        p = p / jnp.sum(p)
        p1 = jnp.max(p)
        i1 = jnp.min(jnp.where(p == p1, lane, _LANES))
        p_rest = jnp.where(lane == i1, -1.0, p)
        p2 = jnp.max(p_rest)
        i2 = jnp.min(jnp.where(p_rest == p2, lane, _LANES))
        sel = (lane == i1) | (lane == i2)
        top2 = jnp.where(sel, p, 0.0)
        denom = jnp.broadcast_to(p1 + p2, (_LANES,))
        mrow[...] = top2 / denom
        pltpu.sync_copy(mrow, mask_hbm.at[t])


def _sc_router(xf, gate_w, n_tok):
    mesh = plsc.VectorSubcoreMesh(core_axis_name="c", subcore_axis_name="s")
    n_e, hidden = gate_w.shape
    run = functools.partial(
        pl.kernel, mesh=mesh,
        out_type=jax.ShapeDtypeStruct((n_tok, _LANES), jnp.float32),
        scratch_types=[
            pltpu.VMEM((hidden,), jnp.float32),
            pltpu.VMEM((n_e, hidden), jnp.float32),
            pltpu.VMEM((_LANES,), jnp.float32),
        ],
        compiler_params=pltpu.CompilerParams(needs_layout_passes=False),
    )(_sc_router_body)
    return run(xf, gate_w)


def _moe_kernel(x_ref, mask_in, gate_blk, down_blk, up_blk,
                out_ref, ew_ref, mask_ref):
    e = pl.program_id(0)
    i = pl.program_id(1)

    @pl.when((e == 0) & (i == 0))
    def _prologue():
        mfull = mask_in[...]
        mask_ref[...] = mfull.T
        m1 = jnp.max(mfull, axis=1, keepdims=True)
        ew_ref[...] = jnp.concatenate([m1, 1.0 - m1], axis=1)
        out_ref[...] = jnp.zeros_like(out_ref)

    xf = x_ref[...]
    g = jax.lax.dot_general(xf, gate_blk[0], (((1,), (1,)), ((), ())),
                            preferred_element_type=jnp.float32)
    d = jax.lax.dot_general(xf, down_blk[0], (((1,), (1,)), ((), ())),
                            preferred_element_type=jnp.float32)
    h = (g * jax.nn.sigmoid(g)) * d
    w_e = mask_ref[pl.ds(e, 1), :]
    h = h * w_e.reshape(h.shape[0], 1)
    part = jax.lax.dot_general(h, up_blk[0], (((1,), (1,)), ((), ())),
                               preferred_element_type=jnp.float32)
    out_ref[...] += part


def kernel(x, gate_w, gate_proj, up_proj, down_proj):
    batch, seq, hidden = x.shape
    n_tok = batch * seq
    n_exp, inter, _ = gate_proj.shape
    xf = x.reshape(n_tok, hidden)

    mask16 = _sc_router(xf, gate_w, n_tok)

    tile_i = 896
    n_i = inter // tile_i

    out, ew = pl.pallas_call(
        _moe_kernel,
        grid=(n_exp, n_i),
        in_specs=[
            pl.BlockSpec((n_tok, hidden), lambda e, i: (0, 0)),
            pl.BlockSpec((n_tok, _LANES), lambda e, i: (0, 0)),
            pl.BlockSpec((1, tile_i, hidden), lambda e, i: (e, i, 0)),
            pl.BlockSpec((1, tile_i, hidden), lambda e, i: (e, i, 0)),
            pl.BlockSpec((1, hidden, tile_i), lambda e, i: (e, 0, i)),
        ],
        out_specs=[
            pl.BlockSpec((n_tok, hidden), lambda e, i: (0, 0)),
            pl.BlockSpec((n_tok, 2), lambda e, i: (0, 0)),
        ],
        out_shape=[
            jax.ShapeDtypeStruct((n_tok, hidden), jnp.float32),
            jax.ShapeDtypeStruct((n_tok, 2), jnp.float32),
        ],
        scratch_shapes=[pltpu.VMEM((_LANES, n_tok), jnp.float32)],
        compiler_params=pltpu.CompilerParams(
            dimension_semantics=("arbitrary", "arbitrary")),
    )(xf, mask16, gate_proj, down_proj, up_proj)

    return out, ew

# --- scband reference (transcript-rebuilt; emitter-appended) ---
"""Pipeline reference for scband-sparse-mo-eblock-88553635709707 (READ-ONLY COPY).

The authoritative reference and input builder live on the scoring server;
editing this copy changes nothing except your own understanding.
"""

import jax, jax.numpy as jnp
import numpy as np

NUM_EXPERTS = 8
TOP_K = 2
HIDDEN = 1024
INTER = 3584
BATCH = 16
SEQ = 1


def setup_inputs(seed: int = 0) -> dict:
    key = jax.random.key(seed)
    k1, k2, k3, k4, k5 = jax.random.split(key, 5)
    std = 0.02
    x = jax.random.normal(k1, (BATCH, SEQ, HIDDEN), dtype=jnp.float32)
    gate_w = jax.random.normal(k2, (NUM_EXPERTS, HIDDEN), dtype=jnp.float32) * std
    gate_proj = jax.random.normal(k3, (NUM_EXPERTS, INTER, HIDDEN), dtype=jnp.float32) * std
    up_proj = jax.random.normal(k4, (NUM_EXPERTS, HIDDEN, INTER), dtype=jnp.float32) * std
    down_proj = jax.random.normal(k5, (NUM_EXPERTS, INTER, HIDDEN), dtype=jnp.float32) * std
    return {"x": x, "gate_w": gate_w, "gate_proj": gate_proj, "up_proj": up_proj, "down_proj": down_proj}


def reference(x, gate_w, gate_proj, up_proj, down_proj):
    batch_size, seq_len, hidden_dim = x.shape
    xf = x.reshape(-1, hidden_dim)  # [T, H]
    # router: nn.Linear(hidden, num_experts, bias=False) -> x @ W.T
    router_logits = xf @ gate_w.T  # [T, E]
    expert_weights_full = jax.nn.softmax(router_logits, axis=-1)
    expert_weights, expert_indices = jax.lax.top_k(expert_weights_full, TOP_K)  # [T, k]
    expert_weights = expert_weights / jnp.sum(expert_weights, axis=-1, keepdims=True)
    # ConditionalFeedForward: per-token gather of expert weight matrices
    gate_proj_weights = gate_proj[expert_indices]  # [T, k, I, H]
    down_proj_weights = down_proj[expert_indices]  # [T, k, I, H]
    up_proj_weights = up_proj[expert_indices]      # [T, k, H, I]
    x1 = jax.nn.silu(jnp.einsum('ti,taoi->tao', xf, gate_proj_weights))  # [T, k, I]
    x3 = jnp.einsum('ti,taoi->tao', xf, down_proj_weights)               # [T, k, I]
    expert_outs = jnp.einsum('tao,taio->tai', x1 * x3, up_proj_weights)  # [T, k, H]
    out = jnp.einsum('tai,ta->ti', expert_outs, expert_weights)          # [T, H]
    return out, expert_weights

if __name__ == "__main__":
    import jax
    _d = setup_inputs()
    print(jax.jit(kernel)(*tuple(_d.values())))

</pallas_src>

<mosaic_0001>
#map = affine_map<(d0, d1) -> (0, 0)>
module attributes {stable_mosaic.version = 14 : i64} {
  func.func @_sc_router_body(%arg0: i32, %arg1: i32, %arg2: memref<16x1024xf32, #tpu.memory_space<hbm>>, %arg3: memref<8x1024xf32, #tpu.memory_space<hbm>>, %arg4: memref<16x16xf32, #tpu.memory_space<hbm>>, %arg5: memref<1024xf32, #tpu.memory_space<vmem>>, %arg6: memref<8x1024xf32, #tpu.memory_space<vmem>>, %arg7: memref<16xf32, #tpu.memory_space<vmem>>) attributes {dimension_semantics = [#tpu.dimension_semantics<core_parallel>, #tpu.dimension_semantics<subcore_parallel>], iteration_bounds = array<i64: 2, 16>, scalar_prefetch = 0 : i64, scratch_operands = 3 : i64, tpu.core_type = #tpu.core_type<sc_vector_subcore>, window_params = [{transform_indices = #map}, {transform_indices = #map}, {transform_indices = #map}]} {
    %eq3A = arith.constant 0 : i32
    %eq3A_0 = arith.cmpi eq, %arg0, %eq3A : i32
    %convert_element_type3A = arith.extui %eq3A_0 : i1 to i32
    %cond3A = arith.constant 0 : i32
    %cond3A_1 = arith.cmpi ne, %convert_element_type3A, %cond3A : i32
    scf.if %cond3A_1 {
      "tpu.region"() ({
        %run_scoped3A = tpu.sem_alloc : memref<!tpu.dma_semaphore, #tpu.memory_space<semaphore_mem>>
        %dma_start3A = arith.constant 0 : i32
        %dma_start3A_197 = tpu.memref_slice %arg2[%arg1, %dma_start3A] : memref<16x1024xf32, #tpu.memory_space<hbm>> -> memref<1x1024xf32, #tpu.memory_space<hbm>>
        %dma_start3A_198 = tpu.memref_squeeze %dma_start3A_197 : memref<1x1024xf32, #tpu.memory_space<hbm>> -> memref<1024xf32, #tpu.memory_space<hbm>>
        %dma_start3A_199 = arith.constant 0 : i32
        %dma_start3A_200 = tpu.memref_slice %arg2[%arg1, %dma_start3A_199] : memref<16x1024xf32, #tpu.memory_space<hbm>> -> memref<1x1024xf32, #tpu.memory_space<hbm>>
        %dma_start3A_201 = tpu.memref_squeeze %dma_start3A_200 : memref<1x1024xf32, #tpu.memory_space<hbm>> -> memref<1024xf32, #tpu.memory_space<hbm>>
        tpu.enqueue_dma source(%dma_start3A_201 : memref<1024xf32, #tpu.memory_space<hbm>>) target(%arg5 : memref<1024xf32, #tpu.memory_space<vmem>>) target_semaphore(%run_scoped3A : memref<!tpu.dma_semaphore, #tpu.memory_space<semaphore_mem>>)
        %dma_wait3A = arith.constant 0 : i32
        %dma_wait3A_202 = tpu.memref_slice %arg2[%arg1, %dma_wait3A] : memref<16x1024xf32, #tpu.memory_space<hbm>> -> memref<1x1024xf32, #tpu.memory_space<hbm>>
        %dma_wait3A_203 = tpu.memref_squeeze %dma_wait3A_202 : memref<1x1024xf32, #tpu.memory_space<hbm>> -> memref<1024xf32, #tpu.memory_space<hbm>>
        %dma_wait3A_204 = arith.constant 0 : i32
        %dma_wait3A_205 = tpu.memref_slice %arg2[%arg1, %dma_wait3A_204] : memref<16x1024xf32, #tpu.memory_space<hbm>> -> memref<1x1024xf32, #tpu.memory_space<hbm>>
        %dma_wait3A_206 = tpu.memref_squeeze %dma_wait3A_205 : memref<1x1024xf32, #tpu.memory_space<hbm>> -> memref<1024xf32, #tpu.memory_space<hbm>>
        tpu.wait_dma2 semaphore(%run_scoped3A : memref<!tpu.dma_semaphore, #tpu.memory_space<semaphore_mem>>) src(%dma_wait3A_206 : memref<1024xf32, #tpu.memory_space<hbm>>) dst(%arg5 : memref<1024xf32, #tpu.memory_space<vmem>>)
        tpu.yield
      }) : () -> ()
      "tpu.region"() ({
        %run_scoped3A = tpu.sem_alloc : memref<!tpu.dma_semaphore, #tpu.memory_space<semaphore_mem>>
        tpu.enqueue_dma source(%arg3 : memref<8x1024xf32, #tpu.memory_space<hbm>>) target(%arg6 : memref<8x1024xf32, #tpu.memory_space<vmem>>) target_semaphore(%run_scoped3A : memref<!tpu.dma_semaphore, #tpu.memory_space<semaphore_mem>>)
        tpu.wait_dma2 semaphore(%run_scoped3A : memref<!tpu.dma_semaphore, #tpu.memory_space<semaphore_mem>>) src(%arg3 : memref<8x1024xf32, #tpu.memory_space<hbm>>) dst(%arg6 : memref<8x1024xf32, #tpu.memory_space<vmem>>)
        tpu.yield
      }) : () -> ()
      %iota3A = tpu.iota {dimensions = array<i32: 0>} : vector<16xi32>
      %broadcast_in_dim3A = arith.constant -1.000000e+30 : f32
      %broadcast_in_dim3A_2 = vector.broadcast %broadcast_in_dim3A : f32 to vector<16xf32>
      %broadcast_in_dim3A_3 = arith.constant 0.000000e+00 : f32
      %broadcast_in_dim3A_4 = vector.broadcast %broadcast_in_dim3A_3 : f32 to vector<16xf32>
      %scan3A = arith.constant 0 : i32
      %scan3A_5 = arith.constant 64 : i32
      %scan3A_6 = arith.addi %scan3A, %scan3A_5 : i32
      %scan3A_7 = arith.constant 1 : i32
      %scan3A_8 = scf.for %scan3A_197 = %scan3A to %scan3A_6 step %scan3A_7 iter_args(%scan3A_198 = %broadcast_in_dim3A_4) -> (vector<16xf32>)  : i32 {
        %mul3A = arith.constant 16 : i32
        %mul3A_199 = arith.muli %scan3A_197, %mul3A : i32
        %get3A = arith.index_cast %mul3A_199 : i32 to index
        %get3A_200 = tpu.vector_load %arg5[%get3A] {strides = array<i32>} : memref<1024xf32, #tpu.memory_space<vmem>>, vector<16xf32>,
        %mul3A_201 = arith.constant 16 : i32
        %mul3A_202 = arith.muli %scan3A_197, %mul3A_201 : i32
        %get3A_203 = arith.constant 0 : i32
        %get3A_204 = arith.index_cast %get3A_203 : i32 to index
        %get3A_205 = arith.index_cast %mul3A_202 : i32 to index
        %get3A_206 = tpu.vector_load %arg6[%get3A_204, %get3A_205] {strides = array<i32>} : memref<8x1024xf32, #tpu.memory_space<vmem>>, vector<16xf32>,
        %mul3A_207 = arith.mulf %get3A_200, %get3A_206 : vector<16xf32>
        %add3A_208 = arith.addf %scan3A_198, %mul3A_207 : vector<16xf32>
        scf.yield %add3A_208 : vector<16xf32>
      }
      %scan3A_9 = arith.constant 64 : i32
      %eq3A_10 = arith.constant 0 : i32
      %eq3A_11 = vector.broadcast %eq3A_10 : i32 to vector<16xi32>
      %eq3A_12 = arith.cmpi eq, %iota3A, %eq3A_11 : vector<16xi32>
      %reduce_sum3A = arith.constant true
      %reduce_sum3A_13 = vector.broadcast %reduce_sum3A : i1 to vector<16xi1>
      %reduce_sum3A_14 = tpu.scan <sum>, %scan3A_8 masked %reduce_sum3A_13 : vector<16xf32>, vector<16xi1> -> vector<16xf32>
      %reduce_sum3A_15 = vector.extract %reduce_sum3A_14[15] : f32 from vector<16xf32>
      %broadcast_in_dim3A_16 = vector.broadcast %reduce_sum3A_15 : f32 to vector<16xf32>
      %select_n3A = arith.select %eq3A_12, %broadcast_in_dim3A_16, %broadcast_in_dim3A_2 : vector<16xi1>, vector<16xf32>
      %broadcast_in_dim3A_17 = arith.constant 0.000000e+00 : f32
      %broadcast_in_dim3A_18 = vector.broadcast %broadcast_in_dim3A_17 : f32 to vector<16xf32>
      %scan3A_19 = arith.constant 0 : i32
      %scan3A_20 = arith.constant 64 : i32
      %scan3A_21 = arith.addi %scan3A_19, %scan3A_20 : i32
      %scan3A_22 = arith.constant 1 : i32
      %scan3A_23 = scf.for %scan3A_197 = %scan3A_19 to %scan3A_21 step %scan3A_22 iter_args(%scan3A_198 = %broadcast_in_dim3A_18) -> (vector<16xf32>)  : i32 {
        %mul3A = arith.constant 16 : i32
        %mul3A_199 = arith.muli %scan3A_197, %mul3A : i32
        %get3A = arith.index_cast %mul3A_199 : i32 to index
        %get3A_200 = tpu.vector_load %arg5[%get3A] {strides = array<i32>} : memref<1024xf32, #tpu.memory_space<vmem>>, vector<16xf32>,
        %mul3A_201 = arith.constant 16 : i32
        %mul3A_202 = arith.muli %scan3A_197, %mul3A_201 : i32
        %get3A_203 = arith.constant 1 : i32
        %get3A_204 = arith.index_cast %get3A_203 : i32 to index
        %get3A_205 = arith.index_cast %mul3A_202 : i32 to index
        %get3A_206 = tpu.vector_load %arg6[%get3A_204, %get3A_205] {strides = array<i32>} : memref<8x1024xf32, #tpu.memory_space<vmem>>, vector<16xf32>,
        %mul3A_207 = arith.mulf %get3A_200, %get3A_206 : vector<16xf32>
        %add3A_208 = arith.addf %scan3A_198, %mul3A_207 : vector<16xf32>
        scf.yield %add3A_208 : vector<16xf32>
      }
      %scan3A_24 = arith.constant 64 : i32
      %eq3A_25 = arith.constant 1 : i32
      %eq3A_26 = vector.broadcast %eq3A_25 : i32 to vector<16xi32>
      %eq3A_27 = arith.cmpi eq, %iota3A, %eq3A_26 : vector<16xi32>
      %reduce_sum3A_28 = arith.constant true
      %reduce_sum3A_29 = vector.broadcast %reduce_sum3A_28 : i1 to vector<16xi1>
      %reduce_sum3A_30 = tpu.scan <sum>, %scan3A_23 masked %reduce_sum3A_29 : vector<16xf32>, vector<16xi1> -> vector<16xf32>
      %reduce_sum3A_31 = vector.extract %reduce_sum3A_30[15] : f32 from vector<16xf32>
      %broadcast_in_dim3A_32 = vector.broadcast %reduce_sum3A_31 : f32 to vector<16xf32>
      %select_n3A_33 = arith.select %eq3A_27, %broadcast_in_dim3A_32, %select_n3A : vector<16xi1>, vector<16xf32>
      %broadcast_in_dim3A_34 = arith.constant 0.000000e+00 : f32
      %broadcast_in_dim3A_35 = vector.broadcast %broadcast_in_dim3A_34 : f32 to vector<16xf32>
      %scan3A_36 = arith.constant 0 : i32
      %scan3A_37 = arith.constant 64 : i32
      %scan3A_38 = arith.addi %scan3A_36, %scan3A_37 : i32
      %scan3A_39 = arith.constant 1 : i32
      %scan3A_40 = scf.for %scan3A_197 = %scan3A_36 to %scan3A_38 step %scan3A_39 iter_args(%scan3A_198 = %broadcast_in_dim3A_35) -> (vector<16xf32>)  : i32 {
        %mul3A = arith.constant 16 : i32
        %mul3A_199 = arith.muli %scan3A_197, %mul3A : i32
        %get3A = arith.index_cast %mul3A_199 : i32 to index
        %get3A_200 = tpu.vector_load %arg5[%get3A] {strides = array<i32>} : memref<1024xf32, #tpu.memory_space<vmem>>, vector<16xf32>,
        %mul3A_201 = arith.constant 16 : i32
        %mul3A_202 = arith.muli %scan3A_197, %mul3A_201 : i32
        %get3A_203 = arith.constant 2 : i32
        %get3A_204 = arith.index_cast %get3A_203 : i32 to index
        %get3A_205 = arith.index_cast %mul3A_202 : i32 to index
        %get3A_206 = tpu.vector_load %arg6[%get3A_204, %get3A_205] {strides = array<i32>} : memref<8x1024xf32, #tpu.memory_space<vmem>>, vector<16xf32>,
        %mul3A_207 = arith.mulf %get3A_200, %get3A_206 : vector<16xf32>
        %add3A_208 = arith.addf %scan3A_198, %mul3A_207 : vector<16xf32>
        scf.yield %add3A_208 : vector<16xf32>
      }
      %scan3A_41 = arith.constant 64 : i32
      %eq3A_42 = arith.constant 2 : i32
      %eq3A_43 = vector.broadcast %eq3A_42 : i32 to vector<16xi32>
      %eq3A_44 = arith.cmpi eq, %iota3A, %eq3A_43 : vector<16xi32>
      %reduce_sum3A_45 = arith.constant true
      %reduce_sum3A_46 = vector.broadcast %reduce_sum3A_45 : i1 to vector<16xi1>
      %reduce_sum3A_47 = tpu.scan <sum>, %scan3A_40 masked %reduce_sum3A_46 : vector<16xf32>, vector<16xi1> -> vector<16xf32>
      %reduce_sum3A_48 = vector.extract %reduce_sum3A_47[15] : f32 from vector<16xf32>
      %broadcast_in_dim3A_49 = vector.broadcast %reduce_sum3A_48 : f32 to vector<16xf32>
      %select_n3A_50 = arith.select %eq3A_44, %broadcast_in_dim3A_49, %select_n3A_33 : vector<16xi1>, vector<16xf32>
      %broadcast_in_dim3A_51 = arith.constant 0.000000e+00 : f32
      %broadcast_in_dim3A_52 = vector.broadcast %broadcast_in_dim3A_51 : f32 to vector<16xf32>
      %scan3A_53 = arith.constant 0 : i32
      %scan3A_54 = arith.constant 64 : i32
      %scan3A_55 = arith.addi %scan3A_53, %scan3A_54 : i32
      %scan3A_56 = arith.constant 1 : i32
      %scan3A_57 = scf.for %scan3A_197 = %scan3A_53 to %scan3A_55 step %scan3A_56 iter_args(%scan3A_198 = %broadcast_in_dim3A_52) -> (vector<16xf32>)  : i32 {
        %mul3A = arith.constant 16 : i32
        %mul3A_199 = arith.muli %scan3A_197, %mul3A : i32
        %get3A = arith.index_cast %mul3A_199 : i32 to index
        %get3A_200 = tpu.vector_load %arg5[%get3A] {strides = array<i32>} : memref<1024xf32, #tpu.memory_space<vmem>>, vector<16xf32>,
        %mul3A_201 = arith.constant 16 : i32
        %mul3A_202 = arith.muli %scan3A_197, %mul3A_201 : i32
        %get3A_203 = arith.constant 3 : i32
        %get3A_204 = arith.index_cast %get3A_203 : i32 to index
        %get3A_205 = arith.index_cast %mul3A_202 : i32 to index
        %get3A_206 = tpu.vector_load %arg6[%get3A_204, %get3A_205] {strides = array<i32>} : memref<8x1024xf32, #tpu.memory_space<vmem>>, vector<16xf32>,
        %mul3A_207 = arith.mulf %get3A_200, %get3A_206 : vector<16xf32>
        %add3A_208 = arith.addf %scan3A_198, %mul3A_207 : vector<16xf32>
        scf.yield %add3A_208 : vector<16xf32>
      }
      %scan3A_58 = arith.constant 64 : i32
      %eq3A_59 = arith.constant 3 : i32
      %eq3A_60 = vector.broadcast %eq3A_59 : i32 to vector<16xi32>
      %eq3A_61 = arith.cmpi eq, %iota3A, %eq3A_60 : vector<16xi32>
      %reduce_sum3A_62 = arith.constant true
      %reduce_sum3A_63 = vector.broadcast %reduce_sum3A_62 : i1 to vector<16xi1>
      %reduce_sum3A_64 = tpu.scan <sum>, %scan3A_57 masked %reduce_sum3A_63 : vector<16xf32>, vector<16xi1> -> vector<16xf32>
      %reduce_sum3A_65 = vector.extract %reduce_sum3A_64[15] : f32 from vector<16xf32>
      %broadcast_in_dim3A_66 = vector.broadcast %reduce_sum3A_65 : f32 to vector<16xf32>
      %select_n3A_67 = arith.select %eq3A_61, %broadcast_in_dim3A_66, %select_n3A_50 : vector<16xi1>, vector<16xf32>
      %broadcast_in_dim3A_68 = arith.constant 0.000000e+00 : f32
      %broadcast_in_dim3A_69 = vector.broadcast %broadcast_in_dim3A_68 : f32 to vector<16xf32>
      %scan3A_70 = arith.constant 0 : i32
      %scan3A_71 = arith.constant 64 : i32
      %scan3A_72 = arith.addi %scan3A_70, %scan3A_71 : i32
      %scan3A_73 = arith.constant 1 : i32
      %scan3A_74 = scf.for %scan3A_197 = %scan3A_70 to %scan3A_72 step %scan3A_73 iter_args(%scan3A_198 = %broadcast_in_dim3A_69) -> (vector<16xf32>)  : i32 {
        %mul3A = arith.constant 16 : i32
        %mul3A_199 = arith.muli %scan3A_197, %mul3A : i32
        %get3A = arith.index_cast %mul3A_199 : i32 to index
        %get3A_200 = tpu.vector_load %arg5[%get3A] {strides = array<i32>} : memref<1024xf32, #tpu.memory_space<vmem>>, vector<16xf32>,
        %mul3A_201 = arith.constant 16 : i32
        %mul3A_202 = arith.muli %scan3A_197, %mul3A_201 : i32
        %get3A_203 = arith.constant 4 : i32
        %get3A_204 = arith.index_cast %get3A_203 : i32 to index
        %get3A_205 = arith.index_cast %mul3A_202 : i32 to index
        %get3A_206 = tpu.vector_load %arg6[%get3A_204, %get3A_205] {strides = array<i32>} : memref<8x1024xf32, #tpu.memory_space<vmem>>, vector<16xf32>,
        %mul3A_207 = arith.mulf %get3A_200, %get3A_206 : vector<16xf32>
        %add3A_208 = arith.addf %scan3A_198, %mul3A_207 : vector<16xf32>
        scf.yield %add3A_208 : vector<16xf32>
      }
      %scan3A_75 = arith.constant 64 : i32
      %eq3A_76 = arith.constant 4 : i32
      %eq3A_77 = vector.broadcast %eq3A_76 : i32 to vector<16xi32>
      %eq3A_78 = arith.cmpi eq, %iota3A, %eq3A_77 : vector<16xi32>
      %reduce_sum3A_79 = arith.constant true
      %reduce_sum3A_80 = vector.broadcast %reduce_sum3A_79 : i1 to vector<16xi1>
      %reduce_sum3A_81 = tpu.scan <sum>, %scan3A_74 masked %reduce_sum3A_80 : vector<16xf32>, vector<16xi1> -> vector<16xf32>
      %reduce_sum3A_82 = vector.extract %reduce_sum3A_81[15] : f32 from vector<16xf32>
      %broadcast_in_dim3A_83 = vector.broadcast %reduce_sum3A_82 : f32 to vector<16xf32>
      %select_n3A_84 = arith.select %eq3A_78, %broadcast_in_dim3A_83, %select_n3A_67 : vector<16xi1>, vector<16xf32>
      %broadcast_in_dim3A_85 = arith.constant 0.000000e+00 : f32
      %broadcast_in_dim3A_86 = vector.broadcast %broadcast_in_dim3A_85 : f32 to vector<16xf32>
      %scan3A_87 = arith.constant 0 : i32
      %scan3A_88 = arith.constant 64 : i32
      %scan3A_89 = arith.addi %scan3A_87, %scan3A_88 : i32
      %scan3A_90 = arith.constant 1 : i32
      %scan3A_91 = scf.for %scan3A_197 = %scan3A_87 to %scan3A_89 step %scan3A_90 iter_args(%scan3A_198 = %broadcast_in_dim3A_86) -> (vector<16xf32>)  : i32 {
        %mul3A = arith.constant 16 : i32
        %mul3A_199 = arith.muli %scan3A_197, %mul3A : i32
        %get3A = arith.index_cast %mul3A_199 : i32 to index
        %get3A_200 = tpu.vector_load %arg5[%get3A] {strides = array<i32>} : memref<1024xf32, #tpu.memory_space<vmem>>, vector<16xf32>,
        %mul3A_201 = arith.constant 16 : i32
        %mul3A_202 = arith.muli %scan3A_197, %mul3A_201 : i32
        %get3A_203 = arith.constant 5 : i32
        %get3A_204 = arith.index_cast %get3A_203 : i32 to index
        %get3A_205 = arith.index_cast %mul3A_202 : i32 to index
        %get3A_206 = tpu.vector_load %arg6[%get3A_204, %get3A_205] {strides = array<i32>} : memref<8x1024xf32, #tpu.memory_space<vmem>>, vector<16xf32>,
        %mul3A_207 = arith.mulf %get3A_200, %get3A_206 : vector<16xf32>
        %add3A_208 = arith.addf %scan3A_198, %mul3A_207 : vector<16xf32>
        scf.yield %add3A_208 : vector<16xf32>
      }
      %scan3A_92 = arith.constant 64 : i32
      %eq3A_93 = arith.constant 5 : i32
      %eq3A_94 = vector.broadcast %eq3A_93 : i32 to vector<16xi32>
      %eq3A_95 = arith.cmpi eq, %iota3A, %eq3A_94 : vector<16xi32>
      %reduce_sum3A_96 = arith.constant true
      %reduce_sum3A_97 = vector.broadcast %reduce_sum3A_96 : i1 to vector<16xi1>
      %reduce_sum3A_98 = tpu.scan <sum>, %scan3A_91 masked %reduce_sum3A_97 : vector<16xf32>, vector<16xi1> -> vector<16xf32>
      %reduce_sum3A_99 = vector.extract %reduce_sum3A_98[15] : f32 from vector<16xf32>
      %broadcast_in_dim3A_100 = vector.broadcast %reduce_sum3A_99 : f32 to vector<16xf32>
      %select_n3A_101 = arith.select %eq3A_95, %broadcast_in_dim3A_100, %select_n3A_84 : vector<16xi1>, vector<16xf32>
      %broadcast_in_dim3A_102 = arith.constant 0.000000e+00 : f32
      %broadcast_in_dim3A_103 = vector.broadcast %broadcast_in_dim3A_102 : f32 to vector<16xf32>
      %scan3A_104 = arith.constant 0 : i32
      %scan3A_105 = arith.constant 64 : i32
      %scan3A_106 = arith.addi %scan3A_104, %scan3A_105 : i32
      %scan3A_107 = arith.constant 1 : i32
      %scan3A_108 = scf.for %scan3A_197 = %scan3A_104 to %scan3A_106 step %scan3A_107 iter_args(%scan3A_198 = %broadcast_in_dim3A_103) -> (vector<16xf32>)  : i32 {
        %mul3A = arith.constant 16 : i32
        %mul3A_199 = arith.muli %scan3A_197, %mul3A : i32
        %get3A = arith.index_cast %mul3A_199 : i32 to index
        %get3A_200 = tpu.vector_load %arg5[%get3A] {strides = array<i32>} : memref<1024xf32, #tpu.memory_space<vmem>>, vector<16xf32>,
        %mul3A_201 = arith.constant 16 : i32
        %mul3A_202 = arith.muli %scan3A_197, %mul3A_201 : i32
        %get3A_203 = arith.constant 6 : i32
        %get3A_204 = arith.index_cast %get3A_203 : i32 to index
        %get3A_205 = arith.index_cast %mul3A_202 : i32 to index
        %get3A_206 = tpu.vector_load %arg6[%get3A_204, %get3A_205] {strides = array<i32>} : memref<8x1024xf32, #tpu.memory_space<vmem>>, vector<16xf32>,
        %mul3A_207 = arith.mulf %get3A_200, %get3A_206 : vector<16xf32>
        %add3A_208 = arith.addf %scan3A_198, %mul3A_207 : vector<16xf32>
        scf.yield %add3A_208 : vector<16xf32>
      }
      %scan3A_109 = arith.constant 64 : i32
      %eq3A_110 = arith.constant 6 : i32
      %eq3A_111 = vector.broadcast %eq3A_110 : i32 to vector<16xi32>
      %eq3A_112 = arith.cmpi eq, %iota3A, %eq3A_111 : vector<16xi32>
      %reduce_sum3A_113 = arith.constant true
      %reduce_sum3A_114 = vector.broadcast %reduce_sum3A_113 : i1 to vector<16xi1>
      %reduce_sum3A_115 = tpu.scan <sum>, %scan3A_108 masked %reduce_sum3A_114 : vector<16xf32>, vector<16xi1> -> vector<16xf32>
      %reduce_sum3A_116 = vector.extract %reduce_sum3A_115[15] : f32 from vector<16xf32>
      %broadcast_in_dim3A_117 = vector.broadcast %reduce_sum3A_116 : f32 to vector<16xf32>
      %select_n3A_118 = arith.select %eq3A_112, %broadcast_in_dim3A_117, %select_n3A_101 : vector<16xi1>, vector<16xf32>
      %broadcast_in_dim3A_119 = arith.constant 0.000000e+00 : f32
      %broadcast_in_dim3A_120 = vector.broadcast %broadcast_in_dim3A_119 : f32 to vector<16xf32>
      %scan3A_121 = arith.constant 0 : i32
      %scan3A_122 = arith.constant 64 : i32
      %scan3A_123 = arith.addi %scan3A_121, %scan3A_122 : i32
      %scan3A_124 = arith.constant 1 : i32
      %scan3A_125 = scf.for %scan3A_197 = %scan3A_121 to %scan3A_123 step %scan3A_124 iter_args(%scan3A_198 = %broadcast_in_dim3A_120) -> (vector<16xf32>)  : i32 {
        %mul3A = arith.constant 16 : i32
        %mul3A_199 = arith.muli %scan3A_197, %mul3A : i32
        %get3A = arith.index_cast %mul3A_199 : i32 to index
        %get3A_200 = tpu.vector_load %arg5[%get3A] {strides = array<i32>} : memref<1024xf32, #tpu.memory_space<vmem>>, vector<16xf32>,
        %mul3A_201 = arith.constant 16 : i32
        %mul3A_202 = arith.muli %scan3A_197, %mul3A_201 : i32
        %get3A_203 = arith.constant 7 : i32
        %get3A_204 = arith.index_cast %get3A_203 : i32 to index
        %get3A_205 = arith.index_cast %mul3A_202 : i32 to index
        %get3A_206 = tpu.vector_load %arg6[%get3A_204, %get3A_205] {strides = array<i32>} : memref<8x1024xf32, #tpu.memory_space<vmem>>, vector<16xf32>,
        %mul3A_207 = arith.mulf %get3A_200, %get3A_206 : vector<16xf32>
        %add3A_208 = arith.addf %scan3A_198, %mul3A_207 : vector<16xf32>
        scf.yield %add3A_208 : vector<16xf32>
      }
      %scan3A_126 = arith.constant 64 : i32
      %eq3A_127 = arith.constant 7 : i32
      %eq3A_128 = vector.broadcast %eq3A_127 : i32 to vector<16xi32>
      %eq3A_129 = arith.cmpi eq, %iota3A, %eq3A_128 : vector<16xi32>
      %reduce_sum3A_130 = arith.constant true
      %reduce_sum3A_131 = vector.broadcast %reduce_sum3A_130 : i1 to vector<16xi1>
      %reduce_sum3A_132 = tpu.scan <sum>, %scan3A_125 masked %reduce_sum3A_131 : vector<16xf32>, vector<16xi1> -> vector<16xf32>
      %reduce_sum3A_133 = vector.extract %reduce_sum3A_132[15] : f32 from vector<16xf32>
      %broadcast_in_dim3A_134 = vector.broadcast %reduce_sum3A_133 : f32 to vector<16xf32>
      %select_n3A_135 = arith.select %eq3A_129, %broadcast_in_dim3A_134, %select_n3A_118 : vector<16xi1>, vector<16xf32>
      %lt3A = arith.constant 8 : i32
      %lt3A_136 = vector.broadcast %lt3A : i32 to vector<16xi32>
      %lt3A_137 = arith.cmpi slt, %iota3A, %lt3A_136 : vector<16xi32>
      %reduce_max3A = arith.constant true
      %reduce_max3A_138 = vector.broadcast %reduce_max3A : i1 to vector<16xi1>
      %reduce_max3A_139 = tpu.scan <max>, %select_n3A_135 masked %reduce_max3A_138 : vector<16xf32>, vector<16xi1> -> vector<16xf32>
      %reduce_max3A_140 = vector.extract %reduce_max3A_139[15] : f32 from vector<16xf32>
      %sub3A = vector.broadcast %reduce_max3A_140 : f32 to vector<16xf32>
      %sub3A_141 = arith.subf %select_n3A_135, %sub3A : vector<16xf32>
      %exp3A = math.exp %sub3A_141 : vector<16xf32>
      %jit3A = arith.constant 0.000000e+00 : f32
      %broadcast_in_dim3A_142 = vector.broadcast %jit3A : f32 to vector<16xf32>
      %select_n3A_143 = arith.select %lt3A_137, %exp3A, %broadcast_in_dim3A_142 : vector<16xi1>, vector<16xf32>
      %reduce_sum3A_144 = arith.constant true
      %reduce_sum3A_145 = vector.broadcast %reduce_sum3A_144 : i1 to vector<16xi1>
      %reduce_sum3A_146 = tpu.scan <sum>, %select_n3A_143 masked %reduce_sum3A_145 : vector<16xf32>, vector<16xi1> -> vector<16xf32>
      %reduce_sum3A_147 = vector.extract %reduce_sum3A_146[15] : f32 from vector<16xf32>
      %div3A = vector.broadcast %reduce_sum3A_147 : f32 to vector<16xf32>
      %div3A_148 = arith.divf %select_n3A_143, %div3A : vector<16xf32>
      %reduce_max3A_149 = arith.constant true
      %reduce_max3A_150 = vector.broadcast %reduce_max3A_149 : i1 to vector<16xi1>
      %reduce_max3A_151 = tpu.scan <max>, %div3A_148 masked %reduce_max3A_150 : vector<16xf32>, vector<16xi1> -> vector<16xf32>
      %reduce_max3A_152 = vector.extract %reduce_max3A_151[15] : f32 from vector<16xf32>
      %eq3A_153 = vector.broadcast %reduce_max3A_152 : f32 to vector<16xf32>
      %eq3A_154 = arith.cmpf oeq, %div3A_148, %eq3A_153 : vector<16xf32>
      %jit3A_155 = arith.constant 16 : i32
      %broadcast_in_dim3A_156 = vector.broadcast %jit3A_155 : i32 to vector<16xi32>
      %select_n3A_157 = arith.select %eq3A_154, %iota3A, %broadcast_in_dim3A_156 : vector<16xi1>, vector<16xi32>
      %reduce_min3A = arith.constant true
      %reduce_min3A_158 = vector.broadcast %reduce_min3A : i1 to vector<16xi1>
      %reduce_min3A_159 = arith.constant -2147483648 : i32
      %reduce_min3A_160 = vector.broadcast %reduce_min3A_159 : i32 to vector<16xi32>
      %reduce_min3A_161 = arith.xori %select_n3A_157, %reduce_min3A_160 : vector<16xi32>
      %reduce_min3A_162 = tpu.scan <min>, %reduce_min3A_161 masked %reduce_min3A_158 : vector<16xi32>, vector<16xi1> -> vector<16xi32>
      %reduce_min3A_163 = arith.xori %reduce_min3A_162, %reduce_min3A_160 : vector<16xi32>
      %reduce_min3A_164 = vector.extract %reduce_min3A_163[15] : i32 from vector<16xi32>
      %eq3A_165 = vector.broadcast %reduce_min3A_164 : i32 to vector<16xi32>
      %eq3A_166 = arith.cmpi eq, %iota3A, %eq3A_165 : vector<16xi32>
      %jit3A_167 = arith.constant -1.000000e+00 : f32
      %broadcast_in_dim3A_168 = vector.broadcast %jit3A_167 : f32 to vector<16xf32>
      %select_n3A_169 = arith.select %eq3A_166, %broadcast_in_dim3A_168, %div3A_148 : vector<16xi1>, vector<16xf32>
      %reduce_max3A_170 = arith.constant true
      %reduce_max3A_171 = vector.broadcast %reduce_max3A_170 : i1 to vector<16xi1>
      %reduce_max3A_172 = tpu.scan <max>, %select_n3A_169 masked %reduce_max3A_171 : vector<16xf32>, vector<16xi1> -> vector<16xf32>
      %reduce_max3A_173 = vector.extract %reduce_max3A_172[15] : f32 from vector<16xf32>
      %eq3A_174 = vector.broadcast %reduce_max3A_173 : f32 to vector<16xf32>
      %eq3A_175 = arith.cmpf oeq, %select_n3A_169, %eq3A_174 : vector<16xf32>
      %jit3A_176 = arith.constant 16 : i32
      %broadcast_in_dim3A_177 = vector.broadcast %jit3A_176 : i32 to vector<16xi32>
      %select_n3A_178 = arith.select %eq3A_175, %iota3A, %broadcast_in_dim3A_177 : vector<16xi1>, vector<16xi32>
      %reduce_min3A_179 = arith.constant true
      %reduce_min3A_180 = vector.broadcast %reduce_min3A_179 : i1 to vector<16xi1>
      %reduce_min3A_181 = arith.constant -2147483648 : i32
      %reduce_min3A_182 = vector.broadcast %reduce_min3A_181 : i32 to vector<16xi32>
      %reduce_min3A_183 = arith.xori %select_n3A_178, %reduce_min3A_182 : vector<16xi32>
      %reduce_min3A_184 = tpu.scan <min>, %reduce_min3A_183 masked %reduce_min3A_180 : vector<16xi32>, vector<16xi1> -> vector<16xi32>
      %reduce_min3A_185 = arith.xori %reduce_min3A_184, %reduce_min3A_182 : vector<16xi32>
      %reduce_min3A_186 = vector.extract %reduce_min3A_185[15] : i32 from vector<16xi32>
      %eq3A_187 = vector.broadcast %reduce_min3A_164 : i32 to vector<16xi32>
      %eq3A_188 = arith.cmpi eq, %iota3A, %eq3A_187 : vector<16xi32>
      %eq3A_189 = vector.broadcast %reduce_min3A_186 : i32 to vector<16xi32>
      %eq3A_190 = arith.cmpi eq, %iota3A, %eq3A_189 : vector<16xi32>
      %or3A = arith.ori %eq3A_188, %eq3A_190 : vector<16xi1>
      %jit3A_191 = arith.constant 0.000000e+00 : f32
      %broadcast_in_dim3A_192 = vector.broadcast %jit3A_191 : f32 to vector<16xf32>
      %select_n3A_193 = arith.select %or3A, %div3A_148, %broadcast_in_dim3A_192 : vector<16xi1>, vector<16xf32>
      %add3A = arith.addf %reduce_max3A_152, %reduce_max3A_173 : f32
      %broadcast_in_dim3A_194 = vector.broadcast %add3A : f32 to vector<16xf32>
      %div3A_195 = arith.divf %select_n3A_193, %broadcast_in_dim3A_194 : vector<16xf32>
      %swap3A = arith.constant 0 : index
      %swap3A_196 = tpu.vector_load %arg7[%swap3A] {strides = array<i32>} : memref<16xf32, #tpu.memory_space<vmem>>, vector<16xf32>,
      tpu.vector_store %arg7[%swap3A], %div3A_195 {strides = array<i32>} : memref<16xf32, #tpu.memory_space<vmem>>, vector<16xf32>,
      "tpu.region"() ({
        %run_scoped3A = tpu.sem_alloc : memref<!tpu.dma_semaphore, #tpu.memory_space<semaphore_mem>>
        %dma_start3A = arith.constant 0 : i32
        %dma_start3A_197 = tpu.memref_slice %arg4[%arg1, %dma_start3A] : memref<16x16xf32, #tpu.memory_space<hbm>> -> memref<1x16xf32, #tpu.memory_space<hbm>>
        %dma_start3A_198 = tpu.memref_squeeze %dma_start3A_197 : memref<1x16xf32, #tpu.memory_space<hbm>> -> memref<16xf32, #tpu.memory_space<hbm>>
        %dma_start3A_199 = arith.constant 0 : i32
        %dma_start3A_200 = tpu.memref_slice %arg4[%arg1, %dma_start3A_199] : memref<16x16xf32, #tpu.memory_space<hbm>> -> memref<1x16xf32, #tpu.memory_space<hbm>>
        %dma_start3A_201 = tpu.memref_squeeze %dma_start3A_200 : memref<1x16xf32, #tpu.memory_space<hbm>> -> memref<16xf32, #tpu.memory_space<hbm>>
        tpu.enqueue_dma source(%arg7 : memref<16xf32, #tpu.memory_space<vmem>>) target(%dma_start3A_201 : memref<16xf32, #tpu.memory_space<hbm>>) target_semaphore(%run_scoped3A : memref<!tpu.dma_semaphore, #tpu.memory_space<semaphore_mem>>)
        %dma_wait3A = arith.constant 0 : i32
        %dma_wait3A_202 = tpu.memref_slice %arg4[%arg1, %dma_wait3A] : memref<16x16xf32, #tpu.memory_space<hbm>> -> memref<1x16xf32, #tpu.memory_space<hbm>>
        %dma_wait3A_203 = tpu.memref_squeeze %dma_wait3A_202 : memref<1x16xf32, #tpu.memory_space<hbm>> -> memref<16xf32, #tpu.memory_space<hbm>>
        %dma_wait3A_204 = arith.constant 0 : i32
        %dma_wait3A_205 = tpu.memref_slice %arg4[%arg1, %dma_wait3A_204] : memref<16x16xf32, #tpu.memory_space<hbm>> -> memref<1x16xf32, #tpu.memory_space<hbm>>
        %dma_wait3A_206 = tpu.memref_squeeze %dma_wait3A_205 : memref<1x16xf32, #tpu.memory_space<hbm>> -> memref<16xf32, #tpu.memory_space<hbm>>
        tpu.wait_dma2 semaphore(%run_scoped3A : memref<!tpu.dma_semaphore, #tpu.memory_space<semaphore_mem>>) src(%arg7 : memref<16xf32, #tpu.memory_space<vmem>>) dst(%dma_wait3A_206 : memref<16xf32, #tpu.memory_space<hbm>>)
        tpu.yield
      }) : () -> ()
    } else {
    }
    return
  }
}

module attributes {stable_mosaic.version = 14 : i64} {
  func.func @_moe_kernel(%arg0: i32, %arg1: i32, %arg2: memref<16x1024xf32, #tpu.memory_space<vmem>>, %arg3: memref<16x16xf32, #tpu.memory_space<vmem>>, %arg4: memref<1x896x1024xf32, #tpu.memory_space<vmem>>, %arg5: memref<1x896x1024xf32, #tpu.memory_space<vmem>>, %arg6: memref<1x1024x896xf32, #tpu.memory_space<vmem>>, %arg7: memref<16x1024xf32, #tpu.memory_space<vmem>>, %arg8: memref<16x2xf32, #tpu.memory_space<vmem>>, %arg9: memref<16x16xf32, #tpu.memory_space<vmem>>) attributes {dimension_semantics = [#tpu.dimension_semantics<arbitrary>, #tpu.dimension_semantics<arbitrary>], iteration_bounds = array<i64: 8, 4>, scalar_prefetch = 0 : i64, scratch_operands = 1 : i64, tpu.core_type = #tpu.core_type<tc>, window_params = [{pipeline_mode = #tpu.pipeline_mode<synchronous>, transform_indices = @transform_0, window_bounds = array<i64: 16, 1024>}, {pipeline_mode = #tpu.pipeline_mode<synchronous>, transform_indices = @transform_1, window_bounds = array<i64: 16, 16>}, {transform_indices = @transform_2, window_bounds = array<i64: 1, 896, 1024>}, {transform_indices = @transform_3, window_bounds = array<i64: 1, 896, 1024>}, {transform_indices = @transform_4, window_bounds = array<i64: 1, 1024, 896>}, {pipeline_mode = #tpu.pipeline_mode<synchronous>, transform_indices = @transform_5, window_bounds = array<i64: 16, 1024>}, {pipeline_mode = #tpu.pipeline_mode<synchronous>, transform_indices = @transform_6, window_bounds = array<i64: 16, 2>}]} {
    %eq3A = arith.constant 0 : i32
    %eq3A_0 = arith.cmpi eq, %arg0, %eq3A : i32
    %eq3A_1 = arith.constant 0 : i32
    %eq3A_2 = arith.cmpi eq, %arg1, %eq3A_1 : i32
    %and3A = arith.andi %eq3A_0, %eq3A_2 : i1
    %convert_element_type3A = arith.extui %and3A : i1 to i32
    %cond3A = arith.constant 0 : i32
    %cond3A_3 = arith.cmpi ne, %convert_element_type3A, %cond3A : i32
    scf.if %cond3A_3 {
      %get3A_42 = arith.constant 0 : index
      %get3A_43 = arith.constant 0 : index
      %get3A_44 = vector.load %arg3[%get3A_42, %get3A_43] : memref<16x16xf32, #tpu.memory_space<vmem>>, vector<16x16xf32>
      %transpose3A = tpu.transpose %get3A_44, [1, 0] : vector<16x16xf32> -> vector<16x16xf32>
      %swap3A_45 = arith.constant 0 : index
      %swap3A_46 = arith.constant 0 : index
      %swap3A_47 = vector.load %arg9[%swap3A_45, %swap3A_46] : memref<16x16xf32, #tpu.memory_space<vmem>>, vector<16x16xf32>
      tpu.vector_store %arg9[%swap3A_45, %swap3A_46], %transpose3A {strides = array<i32>} : memref<16x16xf32, #tpu.memory_space<vmem>>, vector<16x16xf32>,
      %reduce_max3A = arith.constant dense<0xFF800000> : vector<16xf32>
      %reduce_max3A_48 = vector.multi_reduction <maximumf>, %get3A_44, %reduce_max3A [1] : vector<16x16xf32> to vector<16xf32>
      %broadcast_in_dim3A = vector.shape_cast %reduce_max3A_48 : vector<16xf32> to vector<16x1xf32>
      %sub3A = arith.constant 1.000000e+00 : f32
      %sub3A_49 = vector.broadcast %sub3A : f32 to vector<16x1xf32>
      %sub3A_50 = arith.subf %sub3A_49, %broadcast_in_dim3A : vector<16x1xf32>
      %concatenate3A = tpu.concatenate %broadcast_in_dim3A, %sub3A_50 in 1 : vector<16x1xf32>, vector<16x1xf32> -> vector<16x2xf32>
      %swap3A_51 = arith.constant 0 : index
      %swap3A_52 = arith.constant 0 : index
      %swap3A_53 = vector.load %arg8[%swap3A_51, %swap3A_52] : memref<16x2xf32, #tpu.memory_space<vmem>>, vector<16x2xf32>
      tpu.vector_store %arg8[%swap3A_51, %swap3A_52], %concatenate3A {strides = array<i32>} : memref<16x2xf32, #tpu.memory_space<vmem>>, vector<16x2xf32>,
      %broadcast_in_dim3A_54 = arith.constant 0.000000e+00 : f32
      %broadcast_in_dim3A_55 = vector.broadcast %broadcast_in_dim3A_54 : f32 to vector<16x1024xf32>
      %swap3A_56 = arith.constant 0 : index
      %swap3A_57 = arith.constant 0 : index
      %swap3A_58 = vector.load %arg7[%swap3A_56, %swap3A_57] : memref<16x1024xf32, #tpu.memory_space<vmem>>, vector<16x1024xf32>
      tpu.vector_store %arg7[%swap3A_56, %swap3A_57], %broadcast_in_dim3A_55 {strides = array<i32>} : memref<16x1024xf32, #tpu.memory_space<vmem>>, vector<16x1024xf32>,
    } else {
    }
    %get3A = arith.constant 0 : index
    %get3A_4 = arith.constant 0 : index
    %get3A_5 = vector.load %arg2[%get3A, %get3A_4] : memref<16x1024xf32, #tpu.memory_space<vmem>>, vector<16x1024xf32>
    %get3A_6 = arith.constant 0 : index
    %get3A_7 = arith.constant 0 : index
    %get3A_8 = arith.constant 0 : index
    %get3A_9 = vector.load %arg4[%get3A_6, %get3A_7, %get3A_8] : memref<1x896x1024xf32, #tpu.memory_space<vmem>>, vector<1x896x1024xf32>
    %get3A_10 = vector.shape_cast %get3A_9 : vector<1x896x1024xf32> to vector<896x1024xf32>
    %dot_general3A = arith.constant dense<0.000000e+00> : vector<16x896xf32>
    %dot_general3A_11 = tpu.matmul %get3A_5, %get3A_10, %dot_general3A {dimension_numbers = #tpu.dot_dimension_numbers<[1], [1], [0], [0], [0, 0, 1, 0], [], []>, transpose_lhs_hint = false} : vector<16x1024xf32>, vector<896x1024xf32>, vector<16x896xf32> -> vector<16x896xf32>
    %get3A_12 = arith.constant 0 : index
    %get3A_13 = arith.constant 0 : index
    %get3A_14 = arith.constant 0 : index
    %get3A_15 = vector.load %arg5[%get3A_12, %get3A_13, %get3A_14] : memref<1x896x1024xf32, #tpu.memory_space<vmem>>, vector<1x896x1024xf32>
    %get3A_16 = vector.shape_cast %get3A_15 : vector<1x896x1024xf32> to vector<896x1024xf32>
    %dot_general3A_17 = arith.constant dense<0.000000e+00> : vector<16x896xf32>
    %dot_general3A_18 = tpu.matmul %get3A_5, %get3A_16, %dot_general3A_17 {dimension_numbers = #tpu.dot_dimension_numbers<[1], [1], [0], [0], [0, 0, 1, 0], [], []>, transpose_lhs_hint = false} : vector<16x1024xf32>, vector<896x1024xf32>, vector<16x896xf32> -> vector<16x896xf32>
    %logistic3A = arith.negf %dot_general3A_11 : vector<16x896xf32>
    %logistic3A_19 = math.exp %logistic3A : vector<16x896xf32>
    %logistic3A_20 = arith.constant 1.000000e+00 : f32
    %logistic3A_21 = vector.broadcast %logistic3A_20 : f32 to vector<16x896xf32>
    %logistic3A_22 = arith.addf %logistic3A_21, %logistic3A_19 : vector<16x896xf32>
    %logistic3A_23 = arith.divf %logistic3A_21, %logistic3A_22 : vector<16x896xf32>
    %mul3A = arith.mulf %dot_general3A_11, %logistic3A_23 : vector<16x896xf32>
    %mul3A_24 = arith.mulf %mul3A, %dot_general3A_18 : vector<16x896xf32>
    %get3A_25 = arith.index_cast %arg0 : i32 to index
    %get3A_26 = arith.constant 0 : index
    %get3A_27 = vector.load %arg9[%get3A_25, %get3A_26] : memref<16x16xf32, #tpu.memory_space<vmem>>, vector<1x16xf32>
    %reshape3A = vector.shape_cast %get3A_27 : vector<1x16xf32> to vector<16x1xf32>
    %mul3A_28 = vector.broadcast %reshape3A : vector<16x1xf32> to vector<16x896xf32>
    %mul3A_29 = arith.mulf %mul3A_24, %mul3A_28 : vector<16x896xf32>
    %get3A_30 = arith.constant 0 : index
    %get3A_31 = arith.constant 0 : index
    %get3A_32 = arith.constant 0 : index
    %get3A_33 = vector.load %arg6[%get3A_30, %get3A_31, %get3A_32] : memref<1x1024x896xf32, #tpu.memory_space<vmem>>, vector<1x1024x896xf32>
    %get3A_34 = vector.shape_cast %get3A_33 : vector<1x1024x896xf32> to vector<1024x896xf32>
    %dot_general3A_35 = arith.constant dense<0.000000e+00> : vector<16x1024xf32>
    %dot_general3A_36 = tpu.matmul %mul3A_29, %get3A_34, %dot_general3A_35 {dimension_numbers = #tpu.dot_dimension_numbers<[1], [1], [0], [0], [0, 0, 1, 0], [], []>, transpose_lhs_hint = false} : vector<16x896xf32>, vector<1024x896xf32>, vector<16x1024xf32> -> vector<16x1024xf32>
    %get3A_37 = arith.constant 0 : index
    %get3A_38 = arith.constant 0 : index
    %get3A_39 = vector.load %arg7[%get3A_37, %get3A_38] : memref<16x1024xf32, #tpu.memory_space<vmem>>, vector<16x1024xf32>
    %add3A = arith.addf %get3A_39, %dot_general3A_36 : vector<16x1024xf32>
    %swap3A = arith.constant 0 : index
    %swap3A_40 = arith.constant 0 : index
    %swap3A_41 = vector.load %arg7[%swap3A, %swap3A_40] : memref<16x1024xf32, #tpu.memory_space<vmem>>, vector<16x1024xf32>
    tpu.vector_store %arg7[%swap3A, %swap3A_40], %add3A {strides = array<i32>} : memref<16x1024xf32, #tpu.memory_space<vmem>>, vector<16x1024xf32>,
    return
  }
  func.func @transform_0(%arg0: i32, %arg1: i32) -> (i32, i32) {
    %c0_i32 = arith.constant 0 : i32
    %c0_i32_0 = arith.constant 0 : i32
    %c0_i32_1 = arith.constant 0 : i32
    return %c0_i32, %c0_i32_0 : i32, i32
  }
  func.func @transform_1(%arg0: i32, %arg1: i32) -> (i32, i32) {
    %c0_i32 = arith.constant 0 : i32
    %c0_i32_0 = arith.constant 0 : i32
    %c0_i32_1 = arith.constant 0 : i32
    return %c0_i32, %c0_i32_0 : i32, i32
  }
  func.func @transform_2(%arg0: i32, %arg1: i32) -> (i32, i32, i32) {
    %c0_i32 = arith.constant 0 : i32
    %c0_i32_0 = arith.constant 0 : i32
    return %arg0, %arg1, %c0_i32 : i32, i32, i32
  }
  func.func @transform_3(%arg0: i32, %arg1: i32) -> (i32, i32, i32) {
    %c0_i32 = arith.constant 0 : i32
    %c0_i32_0 = arith.constant 0 : i32
    return %arg0, %arg1, %c0_i32 : i32, i32, i32
  }
  func.func @transform_4(%arg0: i32, %arg1: i32) -> (i32, i32, i32) {
    %c0_i32 = arith.constant 0 : i32
    %c0_i32_0 = arith.constant 0 : i32
    return %arg0, %c0_i32, %arg1 : i32, i32, i32
  }
  func.func @transform_5(%arg0: i32, %arg1: i32) -> (i32, i32) {
    %c0_i32 = arith.constant 0 : i32
    %c0_i32_0 = arith.constant 0 : i32
    %c0_i32_1 = arith.constant 0 : i32
    return %c0_i32, %c0_i32_0 : i32, i32
  }
  func.func @transform_6(%arg0: i32, %arg1: i32) -> (i32, i32) {
    %c0_i32 = arith.constant 0 : i32
    %c0_i32_0 = arith.constant 0 : i32
    %c0_i32_1 = arith.constant 0 : i32
    return %c0_i32, %c0_i32_0 : i32, i32
  }
}

</mosaic_0001>

<sc_bundles>
// kernel: kernel.4.cloned.1.call-start
scs
__scs_entry_jumppad:
0x0: {  	(pc) =	sbr.rel $0x88, $3  }
0x1: {  	(tag) =	ssettag $0x0;
	lr =	simm.s32 $0x1  }
0x2: {  	[smem:$0x3F9C] =	sst lr;
	_ =	strace $0xD0000000  }
0x3: {  	_ = 	snop  }
0x4: {  	_ = 	snop  }
0x5: {  	_ = 	snop  }
0x6: {  	_ = 	snop  }
0x7: {  	_ = 	snop  }
__scs_overlays_trampoline_lowered:
0x8: {  	[smem:$0x3FAB] =	sst s0  }
0x9: {  	[smem:$0x3FAC] =	sst s1  }
0xa: {  	[smem:$0x3FAD] =	sst s2  }
0xb: {  	[smem:$0x3FAE] =	sst s3  }
0xc: {  	[smem:$0x3FAF] =	sst s4  }
0xd: {  	[smem:$0x3FB0] =	sst s5  }
0xe: {  	[smem:$0x3FB1] =	sst s6  }
0xf: {  	[smem:$0x3FB2] =	sst s7  }
0x10: {  	[smem:$0x3FB3] =	sst s8  }
0x11: {  	[smem:$0x3FB4] =	sst s9;
	s0 =	simm.s32 @!p0 $0x0  }
0x12: {  	s1 =	sld [smem:$0x3F9A];
	s0 =	simm.s32 @p0 $0x1  }
0x13: {  	[smem:$0x3FB5] =	sst s0;
	s0 =	simm.s32 @!p1 $0x0  }
0x14: {  	s2 =	sld [smem:$0x3F99];
	s0 =	simm.s32 @p1 $0x1  }
0x15: {  	[smem:$0x3FB6] =	sst s0;
	s0 =	simm.s32 @!p2 $0x0  }
0x16: {  	s3 =	sld [smem:$0x3FDB];
	s0 =	simm.s32 @p2 $0x1  }
0x17: {  	s4 =	simm.s32 $0x1BF5;
	[smem:$0x3FB8] =	sst s0  }
0x18: {  	s0 =	sld [smem:$0x3F9B];
	_ =	swait.ge [sflag:s4], $0x0  }
0x19: {  	s7 =	sld [smem:$0x3F9C]  }
0x1a: {  	s8 =	sadd.s32 $0xFFFFE003, lr  }
0x1b: {  	s9 =	sadd.s32 $0xFFFFFEF7, lr;
	s5 =	simm.s32 $0xFFFFFFFF;
	p2 =	slt.u32 s8, $0xFFFFF086  }
0x1c: {  	p1 =	slt.u32 s9, $0xF7A;
	s5 =	simm.s32 @!p2 $0x0  }
0x1d: {  	s5 =	simm.s32 @p1 $0x1;
	p0 =	seq.s32 s7, s2  }
0x1e: {  	s7 =	smul.u32 @!p0 $0xF7A, s2;
	p2 =	seq.s32 @!p0 s5, $0x0  }
0x1f: {  	s9 =	smul.u32 $0xF7A, s1;
	s8 =	simm.s32 @!p0 $0x1BF5;
	p2 =	por !p2, p0  }
0x20: {  	[sflag:s8] =	ssyncset.s32 @!p0 $0xFFFFF086;
	s6 =	sadd.s32 @!p0 s3, s7;
	s7 =	simm.s32 @!p0 $0x108  }
0x21: {  	s3 =	sadd.s32 s3, s9;
	s6 =	sadd.s32 @!p0 $0x88, s6;
	s7 =	simm.s32 @p2 $0x1082  }
0x22: {  	[simem:s7], [sflag:s8] =	dma.local @!p0 [hbm:s6], $0xF7A  }
0x23: {  	s9 =	sor.u32 $0xD0000000, s2;
	s6 =	simm.s32 $0x108;
	_ =	swait.ge @!p0 [sflag:s8], $0x0  }
0x24: {  	s3 =	sadd.s32 $0x88, s3;
	s6 =	simm.s32 @!p1 $0x1082;
	[sflag:s4] =	ssyncset.s32 $0xFFFFF086  }
0x25: {  	[simem:s6], [sflag:s4] =	dma.local [hbm:s3], $0xF7A  }
0x26: {  	[smem:$0x3F9C] =	sst s1;
	(tag) =	ssettag s2;
	_ =	strace s9  }
0x27: {  	s1 =	sld [smem:$0x3FAC]  }
0x28: {  	s2 =	sld [smem:$0x3FAD]  }
0x29: {  	s4 =	sld [smem:$0x3FAF]  }
0x2a: {  	p0 =	seq.s32 s5, $0x0;
	s5 =	sld [smem:$0x3FB0]  }
0x2b: {  	s6 =	sld [smem:$0x3FB1]  }
0x2c: {  	s7 =	sld [smem:$0x3FB2]  }
0x2d: {  	s3 =	simm.s32 $0x108;
	s8 =	sld [smem:$0x3FB3]  }
0x2e: {  	s3 =	simm.s32 @!p0 $0x1082;
	s9 =	sld [smem:$0x3FB4]  }
0x2f: {  	lr =	sadd.s32 s0, s3;
	s0 =	sld [smem:$0x3FAB]  }
0x30: {  	s3 =	sld [smem:$0x3FAE]  }
0x31: {  	[smem:$0x3FB7] =	sst s10  }
0x32: {  	s10 =	sld [smem:$0x3FB5];
	_ =	sdelay $0x3  }
0x33: {  	p0 =	seq.s32 s10, $0x1;
	s10 =	sld [smem:$0x3FB7];
	_ =	sdelay $0x3  }
0x34: {  	[smem:$0x3FB7] =	sst s10  }
0x35: {  	s10 =	sld [smem:$0x3FB6];
	_ =	sdelay $0x3  }
0x36: {  	p1 =	seq.s32 s10, $0x1;
	s10 =	sld [smem:$0x3FB7];
	_ =	sdelay $0x3  }
0x37: {  	[smem:$0x3FB7] =	sst s10  }
0x38: {  	s10 =	sld [smem:$0x3FB8]  }
0x39: {  	_ = 	snop;
	(pc) =	sbr.ind lr, $3  }
0x3a: {  	_ = 	snop  }
0x3b: {  	_ = 	snop  }
0x3c: {  	p2 =	seq.s32 s10, $0x1;
	s10 =	sld [smem:$0x3FB7]  }
0x3d: {  	_ =	shalt  }
0x3e: {  	_ =	shalt  }
0x3f: {  	_ =	shalt  }
0x40: {  	_ =	shalt  }
0x41: {  	_ =	shalt  }
0x42: {  	_ =	shalt  }
0x43: {  	_ =	shalt  }
0x44: {  	_ =	shalt  }
0x45: {  	_ =	shalt  }
0x46: {  	_ =	shalt  }
0x47: {  	_ =	shalt  }
0x48: {  	_ =	shalt  }
0x49: {  	_ =	shalt  }
0x4a: {  	_ =	shalt  }
0x4b: {  	_ =	shalt  }
0x4c: {  	_ =	shalt  }
0x4d: {  	_ =	shalt  }
0x4e: {  	_ =	shalt  }
0x4f: {  	_ =	shalt  }
0x50: {  	_ =	shalt  }
0x51: {  	_ =	shalt  }
0x52: {  	_ =	shalt  }
0x53: {  	_ =	shalt  }
0x54: {  	_ =	shalt  }
0x55: {  	_ =	shalt  }
0x56: {  	_ =	shalt  }
0x57: {  	_ =	shalt  }
0x58: {  	_ =	shalt  }
0x59: {  	_ =	shalt  }
0x5a: {  	_ =	shalt  }
0x5b: {  	_ =	shalt  }
0x5c: {  	_ =	shalt  }
0x5d: {  	_ =	shalt  }
0x5e: {  	_ =	shalt  }
0x5f: {  	_ =	shalt  }
0x60: {  	_ =	shalt  }
0x61: {  	_ =	shalt  }
0x62: {  	_ =	shalt  }
0x63: {  	_ =	shalt  }
0x64: {  	_ =	shalt  }
0x65: {  	_ =	shalt  }
0x66: {  	_ =	shalt  }
0x67: {  	_ =	shalt  }
0x68: {  	_ =	shalt  }
0x69: {  	_ =	shalt  }
0x6a: {  	_ =	shalt  }
0x6b: {  	_ =	shalt  }
0x6c: {  	_ =	shalt  }
0x6d: {  	_ =	shalt  }
0x6e: {  	_ =	shalt  }
0x6f: {  	_ =	shalt  }
0x70: {  	_ =	shalt  }
0x71: {  	_ =	shalt  }
0x72: {  	_ =	shalt  }
0x73: {  	_ =	shalt  }
0x74: {  	_ =	shalt  }
0x75: {  	_ =	shalt  }
0x76: {  	_ =	shalt  }
0x77: {  	_ =	shalt  }
0x78: {  	_ =	shalt  }
0x79: {  	_ =	shalt  }
0x7a: {  	_ =	shalt  }
0x7b: {  	_ =	shalt  }
0x7c: {  	_ =	shalt  }
0x7d: {  	_ =	shalt  }
0x7e: {  	_ =	shalt  }
0x7f: {  	_ =	shalt  }
0x80: {  	_ =	shalt  }
0x81: {  	_ =	shalt  }
0x82: {  	_ =	shalt  }
0x83: {  	_ =	shalt  }
0x84: {  	_ =	shalt  }
0x85: {  	_ =	shalt  }
0x86: {  	_ =	shalt  }
0x87: {  	_ =	shalt  }
.Lfunc_end0:
.L_simem_size_0:
called_computation_lowered:
.L_overlay_start_0:
0x88: {  	s2 =	sld [smem:$0x3FD9]  }
0x89: {  	s3 =	sld [smem:$0x3FFE];
	_ =	sdelay $0x1  }
0x8a: {  	s1 =	srdreg.scid  }
0x8b: {  	s0 =	sand.u32 $0x1, s1  }
0x8c: {  	s14 =	sshll.u32 s0, $0xA;
	s2 =	sadd.s32 s3, s2  }
0x8d: {  	s2 =	sadd.s32 s2, s14  }
0x8e: {  	[smem:$0x3FC3] =	sst s2  }
0x8f: {  	_ = 	snop  }
0x90: {  	s2 =	sld [smem:$0x3FD0];
	_ =	sdelay $0x2  }
0x91: {  	s4 =	simm.s32 $0xA;
	s5 =	simm.s32 $0x10;
	s15 =	sld [smem:$0x3FC8]  }
0x92: {  	[smem:s5], [sflag:s4] =	dma.local [hbm:s2], $0x1  }
0x93: {  	_ =	swait.eq [sflag:s4], $0x1  }
0x94: {  	[sflag:s4] =	ssyncset.done $0x0  }
0x95: {  	[sflag:s4] =	ssyncadd.s32 $0xFFFFFFFF  }
0x96: {  	s16 =	sld [smem:$0x10];
	(tm) =	ssettm $0x1  }
0x97: {  	s17 =	sld [smem:$0x3FFB];
	_ =	sdelay $0x3  }
0x98: {  	_ =	strace s17  }
0x99: {  	s4 =	sld [smem:$0x3FFC];
	_ =	sdelay $0x3  }
0x9a: {  	_ =	strace s4  }
0x9b: {  	s4 =	sld [smem:$0x3FFD];
	_ =	sdelay $0x3  }
0x9c: {  	_ =	strace s4  }
0x9d: {  	_ =	strace $0x8FFFFFFF  }
0x9e: {  	s18 =	sld [smem:$0x3FDB];
	_ =	sdelay $0x1  }
0x9f: {  	s19 =	simm.s32 $_scs_section_size  }
0xa0: {  	s6 =	simm.s32 $_size__tile_overlayer_lowered;
	s7 =	simm.s32 $_tile_overlayer_lowered  }
0xa1: {  	s22 =	simm.s32 $0x1BFF;
	s21 =	sshll.u32 s7, $0x1;
	s4 =	sadd.s32 s19, s18  }
0xa2: {  	s8 =	simm.s32 $0x0;
	s20 =	sshll.u32 s6, $0x1;
	s6 =	sadd.s32 s21, s4  }
0xa3: {  	[timem:s8], [sflag:s22] =	dma.local [hbm:s6], s20  }
0xa4: {  	_ =	swait.ge [sflag:s22], s20  }
0xa5: {  	s5 =	ssub.s32 $0x0, s20;
	[sflag:s22] =	ssyncset.done $0x0  }
0xa6: {  	[sflag:s22] =	ssyncadd.s32 s5;
	_ =	sdelay $0x1  }
0xa7: {  	s23 =	simm.s32 $0x1B8B  }
0xa8: {  	_ =	swait.ge [sflag:s23], $0x1  }
0xa9: {  	[sflag:s23] =	ssyncset.done $0x0  }
0xaa: {  	s25 =	simm.s32 $0x1B8E;
	s24 =	sld [smem:$0x3FFE];
	[sflag:s23] =	ssyncadd.s32 $0xFFFFFFFF  }
0xab: {  	s26 =	simm.s32 $execute0_lowered;
	[smem:$0x3FD2] =	sst s25  }
0xac: {  	s6 =	sshll.u32 s26, $0x1;
	_ =	strace $0x80000046;
	[dreg:$0x1] =	wrdreg $0xFFFFFFFF  }
0xad: {  	s28 =	simm.s32 $_size_execute0_lowered;
	s4 =	sadd.s32 s4, s6;
	[dreg:$0x0] =	wrdreg $0x0  }
0xae: {  	s6 =	sshll.u32 s28, $0x1;
	[dreg:$0x2] =	wrdreg s4  }
0xaf: {  	[dreg:$0x3] =	wrdreg s6  }
0xb0: {  	[dreg:$0x4] =	wrdreg $0xC0  }
0xb1: {  	_ =	task [dreg:s8], $0x5FFFF  }
0xb2: {  	[dreg:$0x1] =	wrdreg $0xFFFFFFFF  }
0xb3: {  	[dreg:$0x0] =	wrdreg $0x60  }
0xb4: {  	[dreg:$0x2] =	wrdreg s16  }
0xb5: {  	[dreg:$0x3] =	wrdreg s15  }
0xb6: {  	[dreg:$0x4] =	wrdreg s24  }
0xb7: {  	[dreg:$0x5] =	wrdreg $0x9  }
0xb8: {  	_ =	task.clear_ibuf [dreg:s8], $0x6FFFF;
	_ =	strace $0x90000046  }
0xb9: {  	s29 =	simm.s32 $0x9;
	_ =	strace $0x80000048  }
0xba: {  	_ =	swait.ge [sflag:s29], $0x1  }
0xbb: {  	[sflag:s29] =	ssyncadd.s32 $0xFFFFFFFF  }
0xbc: {  	_ =	strace $0x90000048  }
0xbd: {  	_ =	sfence  }
0xbe: {  	s30 =	sld [smem:$0x0];
	_ =	sdelay $0x2  }
0xbf: {  	s31 =	sshll.u32 s1, $0xD;
	s1 =	sshrl.u32 s1, $0x2  }
0xc0: {  	s3 =	sand.u32 $0x4000, s31;
	s1 =	sadd.s32 s1, s30  }
0xc1: {  	s0 =	sor.u32 s3, s0;
	s1 =	sshll.u32 s1, $0x11  }
0xc2: {  	s0 =	sor.u32 s1, s0  }
0xc3: {  	s0 =	sadd.s32 $0x8F2B, s0  }
0xc4: {  	[sflag:s0] =	ssyncadd.remote.s32 $0x1  }
0xc5: {  	_ =	sfence.sel $0xFFFF  }
0xc6: {  	[dreg:$0x0] =	wrdreg $0xFFFFFFFF;
	(pc) =	sbr.abs _section_cstart, $3  }
0xc7: {  	[dreg:$0x1] =	wrdreg $0xFFFFFFFF  }
0xc8: {  	_ =	task.clear_ibuf [dreg:s8], $0x2FFFF;
	_ =	strace $0x9FFFFFFF  }
0xc9: {  	(tm) =	ssettm $0x7FFFFFFF  }
tec
execute0_lowered:
.L_overlay_start_1:
0x0: {  	(tag) =	ssettag $0x1  }
0x1: {  	s1 =	srdreg.scid  }
0x2: {  	s1 =	sand.u32 $0x1, s1  }
0x3: {  	p0 =	seq.s32 s1, $0x1  }
.Ltmp0:
0x4: {  	s5 =	rddreg [dreg:$0x0];
	(pc) =	sbr.rel @p0 .LBB2_18-.Ltmp0, $4  }
0x5: {  	s4 =	rddreg [dreg:$0x1]  }
0x6: {  	s2 =	rddreg [dreg:$0x2];
	s3 =	simm.s32 $0x0  }
0x7: {  	[smem:$0x7FF] =	sst s3  }
0x8: {  	s0 =	rddreg [dreg:$0x3];
	_ =	strace $0x80000047;
	s1 =	stileid.u32  }
0x9: {  	s6 =	sshrl.u32 s1, $0x3;
	s7 =	sshll.u32 s1, $0x7  }
0xa: {  	s7 =	sand.u32 $0x380, s7;
	s8 =	sshll.u32 s6, $0xD  }
0xb: {  	s8 =	sor.u32 s7, s8  }
0xc: {  	s26 =	simm.s32 $0x80;
	s8 =	sshrl.u32 s8, $0x3  }
0xd: {  	s9 =	simm.s32 $0x400;
	s28 =	simm.s32 $0x1;
	s5 =	sadd.s32 s5, s8  }
0xe: {  	[tilespmem:s3], [sflag:$0x1] =	stream.strided.gather [hbm4b:s5+s26], $0x400, s9, s26, $0x38;
	[tilespmem:$0x2480] =	vst v63  }
0xf: {  	_ =	swait.ge [sflag:s28], $0x400  }
0x10: {  	[sflag:s28] =	ssyncset.done $0x0  }
0x11: {  	[sflag:s28] =	ssyncadd.s32 $0xFFFFFC00  }
0x12: {  	[tilespmem:s9], [sflag:$0x1] =	stream.linear.gather [hbm4b:s4+s3], $0x2000, $0x38;
	[tilespmem:$0x2480] =	vst v63  }
0x13: {  	_ =	swait.ge [sflag:s28], $0x2000  }
0x14: {  	s30 =	sand.u32 $0x70, s3;
	s6 =	sshll.u32 s6, $0xA;
	[sflag:s28] =	ssyncset.done $0x0  }
0x15: {  	s31 =	sand.u32 $0x1C00, s3;
	s29 =	sor.u32 s7, s6;
	[sflag:s28] =	ssyncadd.s32 $0xFFFFE000  }
0x16: {  	s5 =	sor.u32 s30, s31;
	s4 =	sshrl.u32 s29, $0x3;
	v0 =	vld [tilespmem:s3+$0x0]  }
0x17: {  	s2 =	sadd.s32 s4, s2;
	v3 =	vld [tilespmem:s5+$0x400]  }
0x18: {  	v1 =	vimm.f32 $0.0e+00;
	v2 =	vimm.f32 $0.0e+00;
	s4 =	simm.s32 $0x10;
	s2 =	sadd.s32 $0xA00, s2;
	s5 =	simm.s32 $0x0  }
.LBB2_2:
0x19: {  	s6 =	sand.u32 $0x70, s4;
	p0 =	sne.s32 s4, $0x3F0  }
.Ltmp1:
0x1a: {  	s3 =	sadd.s32 $0x80, s3;
	s5 =	sadd.s32 $0x10, s5;
	(pc) =	sbr.rel @p0 .LBB2_2-.Ltmp1, $4  }
0x1b: {  	s4 =	sadd.s32 $0x10, s4;
	s7 =	sand.u32 $0x1C00, s3  }
0x1c: {  	s6 =	sor.u32 s6, s7;
	v4 =	vmul.f32 v3, v0;
	v0 =	vld [tilespmem:s5+$0x0]  }
0x1d: {  	v3 =	vld [tilespmem:s6+$0x400]  }
0x1e: {  	v2 =	vadd.f32 v4, v2  }
0x1f: {  	_ =	sdelay $0x1  }
0x20: {  	s3 =	simm.s32 $0x0  }
0x21: {  	s4 =	sand.u32 $0x70, s3;
	s5 =	sand.u32 $0x1C00, s3;
	v0 =	vmul.f32 v3, v0  }
0x22: {  	s5 =	sor.u32 s4, s5;
	v3 =	vld [tilespmem:s3+$0x0]  }
0x23: {  	v0 =	vadd.f32 v0, v2;
	v2 =	vld [tilespmem:s5+$0x480]  }
0x24: {  	s4 =	simm.s32 $0x10;
	s5 =	simm.s32 $0x0  }
.LBB2_4:
0x25: {  	s6 =	sand.u32 $0x70, s4;
	p0 =	sne.s32 s4, $0x3F0  }
.Ltmp2:
0x26: {  	s3 =	sadd.s32 $0x80, s3;
	s5 =	sadd.s32 $0x10, s5;
	(pc) =	sbr.rel @p0 .LBB2_4-.Ltmp2, $4  }
0x27: {  	s4 =	sadd.s32 $0x10, s4;
	s7 =	sand.u32 $0x1C00, s3  }
0x28: {  	s6 =	sor.u32 s6, s7;
	v4 =	vmul.f32 v2, v3;
	v3 =	vld [tilespmem:s5+$0x0]  }
0x29: {  	v2 =	vld [tilespmem:s6+$0x480]  }
0x2a: {  	v1 =	vadd.f32 v4, v1  }
0x2b: {  	_ = 	snop  }
0x2c: {  	s3 =	simm.s32 $0x0  }
0x2d: {  	s4 =	sand.u32 $0x70, s3;
	s5 =	sand.u32 $0x1C00, s3  }
0x2e: {  	s5 =	sor.u32 s4, s5;
	v2 =	vmul.f32 v2, v3;
	v3 =	vld [tilespmem:s3+$0x0]  }
0x2f: {  	v4 =	vld [tilespmem:s5+$0x500]  }
0x30: {  	s4 =	simm.s32 $0x10;
	s5 =	simm.s32 $0x0;
	v1 =	vadd.f32 v2, v1;
	v2 =	vimm.f32 $0.0e+00  }
.LBB2_6:
0x31: {  	s6 =	sand.u32 $0x70, s4;
	p0 =	sne.s32 s4, $0x3F0  }
.Ltmp3:
0x32: {  	s3 =	sadd.s32 $0x80, s3;
	s5 =	sadd.s32 $0x10, s5;
	(pc) =	sbr.rel @p0 .LBB2_6-.Ltmp3, $4  }
0x33: {  	s4 =	sadd.s32 $0x10, s4;
	s7 =	sand.u32 $0x1C00, s3  }
0x34: {  	s6 =	sor.u32 s6, s7;
	v5 =	vmul.f32 v4, v3;
	v3 =	vld [tilespmem:s5+$0x0]  }
0x35: {  	v4 =	vld [tilespmem:s6+$0x500]  }
0x36: {  	v2 =	vadd.f32 v5, v2  }
0x37: {  	_ = 	snop  }
0x38: {  	s3 =	simm.s32 $0x0  }
0x39: {  	s4 =	sand.u32 $0x70, s3;
	s5 =	sand.u32 $0x1C00, s3  }
0x3a: {  	s5 =	sor.u32 s4, s5;
	v3 =	vmul.f32 v4, v3;
	v4 =	vld [tilespmem:s3+$0x0]  }
0x3b: {  	v5 =	vld [tilespmem:s5+$0x580]  }
0x3c: {  	s4 =	simm.s32 $0x10;
	s5 =	simm.s32 $0x0;
	v2 =	vadd.f32 v3, v2;
	v3 =	vimm.f32 $0.0e+00  }
.LBB2_8:
0x3d: {  	s6 =	sand.u32 $0x70, s4;
	p0 =	sne.s32 s4, $0x3F0  }
.Ltmp4:
0x3e: {  	s3 =	sadd.s32 $0x80, s3;
	s5 =	sadd.s32 $0x10, s5;
	(pc) =	sbr.rel @p0 .LBB2_8-.Ltmp4, $4  }
0x3f: {  	s4 =	sadd.s32 $0x10, s4;
	s7 =	sand.u32 $0x1C00, s3  }
0x40: {  	s6 =	sor.u32 s6, s7;
	v6 =	vmul.f32 v5, v4;
	v4 =	vld [tilespmem:s5+$0x0]  }
0x41: {  	v5 =	vld [tilespmem:s6+$0x580]  }
0x42: {  	v3 =	vadd.f32 v6, v3  }
0x43: {  	_ = 	snop  }
0x44: {  	s3 =	simm.s32 $0x0  }
0x45: {  	s4 =	sand.u32 $0x70, s3;
	s5 =	sand.u32 $0x1C00, s3  }
0x46: {  	s5 =	sor.u32 s4, s5;
	v4 =	vmul.f32 v5, v4;
	v5 =	vld [tilespmem:s3+$0x0]  }
0x47: {  	v6 =	vld [tilespmem:s5+$0x600]  }
0x48: {  	s4 =	simm.s32 $0x10;
	s5 =	simm.s32 $0x0;
	v3 =	vadd.f32 v4, v3;
	v4 =	vimm.f32 $0.0e+00  }
.LBB2_10:
0x49: {  	s6 =	sand.u32 $0x70, s4;
	p0 =	sne.s32 s4, $0x3F0  }
.Ltmp5:
0x4a: {  	s3 =	sadd.s32 $0x80, s3;
	s5 =	sadd.s32 $0x10, s5;
	(pc) =	sbr.rel @p0 .LBB2_10-.Ltmp5, $4  }
0x4b: {  	s4 =	sadd.s32 $0x10, s4;
	s7 =	sand.u32 $0x1C00, s3  }
0x4c: {  	s6 =	sor.u32 s6, s7;
	v7 =	vmul.f32 v6, v5;
	v5 =	vld [tilespmem:s5+$0x0]  }
0x4d: {  	v6 =	vld [tilespmem:s6+$0x600]  }
0x4e: {  	v4 =	vadd.f32 v7, v4  }
0x4f: {  	_ = 	snop  }
0x50: {  	s3 =	simm.s32 $0x0  }
0x51: {  	s4 =	sand.u32 $0x70, s3;
	s5 =	sand.u32 $0x1C00, s3  }
0x52: {  	s5 =	sor.u32 s4, s5;
	v5 =	vmul.f32 v6, v5;
	v6 =	vld [tilespmem:s3+$0x0]  }
0x53: {  	v7 =	vld [tilespmem:s5+$0x680]  }
0x54: {  	s4 =	simm.s32 $0x10;
	s5 =	simm.s32 $0x0;
	v4 =	vadd.f32 v5, v4;
	v5 =	vimm.f32 $0.0e+00  }
.LBB2_12:
0x55: {  	s6 =	sand.u32 $0x70, s4;
	p0 =	sne.s32 s4, $0x3F0  }
.Ltmp6:
0x56: {  	s3 =	sadd.s32 $0x80, s3;
	s5 =	sadd.s32 $0x10, s5;
	(pc) =	sbr.rel @p0 .LBB2_12-.Ltmp6, $4  }
0x57: {  	s4 =	sadd.s32 $0x10, s4;
	s7 =	sand.u32 $0x1C00, s3  }
0x58: {  	s6 =	sor.u32 s6, s7;
	v8 =	vmul.f32 v7, v6;
	v6 =	vld [tilespmem:s5+$0x0]  }
0x59: {  	v7 =	vld [tilespmem:s6+$0x680]  }
0x5a: {  	v5 =	vadd.f32 v8, v5  }
0x5b: {  	_ = 	snop  }
0x5c: {  	s3 =	simm.s32 $0x0  }
0x5d: {  	s4 =	sand.u32 $0x70, s3;
	s5 =	sand.u32 $0x1C00, s3  }
0x5e: {  	s5 =	sor.u32 s4, s5;
	v6 =	vmul.f32 v7, v6;
	v7 =	vld [tilespmem:s3+$0x0]  }
0x5f: {  	v8 =	vld [tilespmem:s5+$0x700]  }
0x60: {  	s4 =	simm.s32 $0x10;
	s5 =	simm.s32 $0x0;
	v5 =	vadd.f32 v6, v5;
	v6 =	vimm.f32 $0.0e+00  }
.LBB2_14:
0x61: {  	s6 =	sand.u32 $0x70, s4;
	p0 =	sne.s32 s4, $0x3F0  }
.Ltmp7:
0x62: {  	s3 =	sadd.s32 $0x80, s3;
	s5 =	sadd.s32 $0x10, s5;
	(pc) =	sbr.rel @p0 .LBB2_14-.Ltmp7, $4  }
0x63: {  	s4 =	sadd.s32 $0x10, s4;
	s7 =	sand.u32 $0x1C00, s3  }
0x64: {  	s6 =	sor.u32 s6, s7;
	v9 =	vmul.f32 v8, v7;
	v7 =	vld [tilespmem:s5+$0x0]  }
0x65: {  	v8 =	vld [tilespmem:s6+$0x700]  }
0x66: {  	v6 =	vadd.f32 v9, v6  }
0x67: {  	_ = 	snop  }
0x68: {  	s3 =	simm.s32 $0x0  }
0x69: {  	s4 =	sor.u32 s3, s3  }
0x6a: {  	s4 =	sor.u32 $0x380, s4;
	v7 =	vmul.f32 v8, v7;
	v8 =	vld [tilespmem:s3+$0x0]  }
0x6b: {  	v9 =	vld [tilespmem:s4+$0x400];
	_ =	sdelay $0x2  }
0x6c: {  	s5 =	simm.s32 $0x10;
	s3 =	simm.s32 $0x10;
	s4 =	simm.s32 $0x80;
	v6 =	vadd.f32 v7, v6;
	v7 =	vimm.f32 $0.0e+00  }
.LBB2_16:
0x6d: {  	s6 =	sor.u32 s4, s3;
	p0 =	sne.s32 s3, $0x3F0;
	s3 =	sadd.s32 $0x10, s3  }
.Ltmp8:
0x6e: {  	s6 =	sor.u32 $0x380, s6;
	v10 =	vmul.f32 v9, v8;
	v8 =	vld [tilespmem:s5+$0x0];
	(pc) =	sbr.rel @p0 .LBB2_16-.Ltmp8, $3  }
0x6f: {  	v9 =	vld [tilespmem:s6+$0x400]  }
0x70: {  	v7 =	vadd.f32 v10, v7;
	_ =	sdelay $0x1  }
0x71: {  	s4 =	sadd.s32 $0x80, s4;
	s5 =	sadd.s32 $0x10, s5  }
0x72: {  	(xrf2) =	vadd.scan.msk.f32 $0xffff, v0  }
0x73: {  	(xrf2) =	vadd.scan.msk.f32 $0xffff, v1  }
0x74: {  	(xrf2) =	vadd.scan.msk.f32 $0xffff, v2  }
0x75: {  	v40 =	vmul.f32 v9, v8;
	(xrf2) =	vadd.scan.msk.f32 $0xffff, v3  }
0x76: {  	(xrf2) =	vadd.scan.msk.f32 $0xffff, v4  }
0x77: {  	v0 =	vadd.f32 v40, v7;
	(xrf2) =	vadd.scan.msk.f32 $0xffff, v5  }
0x78: {  	(xrf2) =	vadd.scan.msk.f32 $0xffff, v6  }
0x79: {  	(xrf2) =	vadd.scan.msk.f32 $0xffff, v0;
	_ =	sdelay $0x2  }
0x7a: {  	v41, _, _ =	vpop (xrf2)  }
0x7b: {  	v1, _, _ =	vpop (xrf2);
	v0 =	vbroadcast v41, $0xF  }
0x7c: {  	vm0 =	vmmov $0x1;
	v2, _, _ =	vpop (xrf2);
	v1 =	vbroadcast v1, $0xF  }
0x7d: {  	vm5 =	vcmask $0x320;
	v3, _, _ =	vpop (xrf2);
	v0 =	vnsel vm0, $0xF149F2CA, v0;
	v2 =	vbroadcast v2, $0xF  }
0x7e: {  	vm6 =	vcmask $0x720;
	v4, _, _ =	vpop (xrf2);
	v0 =	vsel vm5, v0, v1;
	v42 =	vbroadcast v3, $0xF  }
0x7f: {  	vm7 =	vcmask $0xB20;
	v43, _, _ =	vpop (xrf2);
	v0 =	vsel vm6, v0, v2;
	v44 =	vbroadcast v4, $0xF  }
0x80: {  	vm8 =	vcmask $0xF20;
	v45, _, _ =	vpop (xrf2);
	v0 =	vsel vm7, v0, v42;
	v46 =	vbroadcast v43, $0xF  }
0x81: {  	vm9 =	vcmask $0x1320;
	v0 =	vsel vm8, v0, v44;
	v47 =	vbroadcast v45, $0xF;
	v48, _, _ =	vpop (xrf2)  }
0x82: {  	vm10 =	vcmask $0x1720;
	v0 =	vsel vm9, v0, v46;
	v49 =	vbroadcast v48, $0xF  }
0x83: {  	vm11 =	vcmask $0x1B20;
	v0 =	vsel vm10, v0, v47  }
0x84: {  	v0 =	vsel vm11, v0, v49  }
0x85: {  	(xrf0) =	vmax.scan.msk.f32 $0xffff, v0;
	_ =	sdelay $0x5  }
0x86: {  	v50, _, _ =	vpop (xrf0)  }
0x87: {  	v1 =	vbroadcast v50, $0xF;
	_ =	sdelay $0x1  }
0x88: {  	v0 =	vsub.f32 v0, v1;
	_ =	sdelay $0x1  }
0x89: {  	v0 =	vmul.f32 $1.442695020e+00, v0;
	_ =	sdelay $0x1  }
0x8a: {  	(erf) = vpow2.f32 v0;
	_ =	sdelay $0x8  }
0x8b: {  	vm12 =	vmmov $0xff;
	v0 =	vpop (erf)  }
0x8c: {  	v0 =	vnsel vm12, $0x0, v0  }
0x8d: {  	(xrf2) =	vadd.scan.msk.f32 $0xffff, v0;
	_ =	sdelay $0x9  }
0x8e: {  	v51, _, _ =	vpop (xrf2)  }
0x8f: {  	v1 =	vbroadcast v51, $0xF;
	_ =	sdelay $0x1  }
0x90: {  	(erf) = vrcp.f32 v1;
	_ =	sdelay $0x8  }
0x91: {  	v1 =	vpop (erf)  }
0x92: {  	v0 =	vmul.f32 v1, v0;
	_ =	sdelay $0x1  }
0x93: {  	(xrf0) =	vmax.scan.msk.f32 $0xffff, v0;
	_ =	sdelay $0x5  }
0x94: {  	v52, _, _ =	vpop (xrf0)  }
0x95: {  	v53 =	vbroadcast v52, $0xF  }
0x96: {  	v54 =	vlaneseq.u32  }
0x97: {  	v55 =	vor.u32 $0x80000000, v54;
	vm13 =	veq.f32 v0, v53  }
0x98: {  	v56 =	vnsel vm13, $0x80000010, v55  }
0x99: {  	(xrf0) =	vmin.scan.msk.u32 $0xffff, v56;
	_ =	sdelay $0x5  }
0x9a: {  	(v2sf) =	vpush v52, $0xF;
	v57, _, _ =	vpop (xrf0)  }
0x9b: {  	(v2sf) =	vpush v57, $0xF;
	_ =	sdelay $0xd  }
0x9c: {  	s3 =	spop (v2sf)  }
0x9d: {  	s4 =	spop (v2sf)  }
0x9e: {  	s4 =	sxor.u32 $0x80000000, s4  }
0x9f: {  	v58 =	vmov s4  }
0xa0: {  	vm14 =	veq.s32 v58, v54  }
0xa1: {  	v1 =	vsel vm14, $0xBF800000, v0  }
0xa2: {  	(xrf0) =	vmax.scan.msk.f32 $0xffff, v1;
	_ =	sdelay $0x5  }
0xa3: {  	v59, _, _ =	vpop (xrf0)  }
0xa4: {  	v60 =	vbroadcast v59, $0xF;
	_ =	sdelay $0x1  }
0xa5: {  	vm1 =	veq.f32 v1, v60  }
0xa6: {  	(v2sf) =	vpush v59, $0xF;
	v1 =	vnsel vm1, $0x80000010, v55  }
0xa7: {  	(xrf0) =	vmin.scan.msk.u32 $0xffff, v1;
	_ =	sdelay $0x5  }
0xa8: {  	v1, _, _ =	vpop (xrf0)  }
0xa9: {  	(v2sf) =	vpush v1, $0xF;
	_ =	sdelay $0x6  }
0xaa: {  	s26 =	spop (v2sf)  }
0xab: {  	s3 =	sadd.f32 s26, s3;
	_ =	sdelay $0x1  }
0xac: {  	v61 =	vmov s3  }
0xad: {  	(erf) = vrcp.f32 v61;
	_ =	sdelay $0x3  }
0xae: {  	s28 =	spop (v2sf)  }
0xaf: {  	s3 =	sxor.u32 $0x80000000, s28  }
0xb0: {  	v62 =	vmov s3  }
0xb1: {  	vm15 =	veq.s32 v62, v54  }
0xb2: {  	vm0 =	vmor vm14, vm15  }
0xb3: {  	v63 =	vpop (erf);
	v0 =	vnsel vm0, $0x0, v0  }
0xb4: {  	v0 =	vmul.f32 v0, v63;
	_ =	sdelay $0x1  }
0xb5: {  	s29 =	simm.s32 $0x0;
	s30 =	simm.s32 $0x2400;
	s31 =	simm.s32 $0x1;
	[tilespmem:$0x2400] =	vst v0  }
0xb6: {  	[hbm4b:s2+s29] =	stream.linear.scatter [tilespmem:s30], [sflag:$0x1], $0x80, $0x38;
	[tilespmem:$0x2480] =	vst v63  }
0xb7: {  	_ =	swait.ge [sflag:s31], $0x80  }
0xb8: {  	[sflag:s31] =	ssyncset.done $0x0  }
0xb9: {  	[sflag:s31] =	ssyncadd.s32 $0xFFFFFF80  }
.LBB2_18:
0xba: {  	_ =	sfence.sel $0x180000  }
0xbb: {  	[bflag:$0x0] =	sbarrier.arrive $0xFFFF  }
0xbc: {  	p0 =	sne.s32 s1, $0x0;
	_ =	strace $0x90000047  }
0xbd: {  	s0 =	sadd.s32 @!p0 $0x100000, s0;
	[bflag:$0x2] =	sbarrier.arrive $0xFFFF  }
0xbe: {  	[sflag:s0] =	ssyncadd.tile.s32 @!p0 $0x1;
	_ =	shalt  }
.Lfunc_end2:
_tile_overlayer_lowered:
.L_overlay_start_2:
0xbf: {  	(tag) =	ssettag $0x2  }
0xc0: {  	s0 =	rddreg [dreg:$0x0];
	s2 =	stileid.u32  }
0xc1: {  	s1 =	rddreg [dreg:$0x1];
	p0 =	sne.s32 s2, $0x0  }
0xc2: {  	s3 =	rddreg [dreg:$0x2];
	[bflag:$0x3] =	sbarrier.arrive $0xFFFF;
	s2 =	simm.s32 @!p0 $0x1C01  }
0xc3: {  	[timem:s3], [sflag:s2] =	dma.local @!p0 [hbm:s0], s1  }
0xc4: {  	s0 =	simm.s32 @!p0 $0x1  }
0xc5: {  	_ =	swait.ge @!p0 [sflag:s0], s1  }
0xc6: {  	s1 =	ssub.s32 @!p0 $0x0, s1;
	[sflag:s0] =	ssyncset.done @!p0 $0x0  }
0xc7: {  	[sflag:s0] =	ssyncadd.s32 @!p0 s1  }
0xc8: {  	[bflag:$0x3] =	sbarrier.arrive $0xFFFF  }
0xc9: {  	_ =	shalt  }

</sc_bundles>
